<compile_context>
chip_gen: v7x
topology: tpu7x:2x2x1
jax: 0.10.2.dev20260603
libtpu: 0.0.44.dev20260713+nightly
codegen_flags: <defaults>
</compile_context>

<pallas_src>
import functools

import jax
import jax.numpy as jnp
from jax import lax
from jax.experimental import pallas as pl
from jax.experimental.pallas import tpu as pltpu
from jax.experimental.pallas import tpu_sc as plsc

_NEG = float("-inf")
_BIG = 2**30


def _topk_body(logp3_ref, blsg_ref, bls_ref, topp_ref, q_ref, w_ref, gmax_ref):
    nblk, nj, nl = logp3_ref.shape
    nsb = nblk // 8

    def s1(c, _):
        slab8 = logp3_ref[pl.ds(c * 8, 8)]
        gmax_ref[pl.ds(c * 8, 8), :] = jnp.max(slab8, axis=1)
        return c + 1, None

    lax.scan(s1, 0, None, length=nsb)

    adj0 = gmax_ref[:] + blsg_ref[:]

    ri = lax.broadcasted_iota(jnp.int32, (nblk, nl), 0)
    rl = lax.broadcasted_iota(jnp.int32, (nblk, nl), 1)
    rflat = ri * nl + rl
    qidx = ri // 2
    vkey = (ri % 2) * nl + rl
    lane1 = lax.broadcasted_iota(jnp.int32, (1, nl), 1)
    jio = lax.broadcasted_iota(jnp.int32, (nj, nl), 0)
    lio = lax.broadcasted_iota(jnp.int32, (nj, nl), 1)

    def step(t, carry):
        adj, gmax, topp, qa, wa = carry
        m_adj = jnp.max(adj)
        eq = adj == m_adj
        cnt = jnp.sum(eq.astype(jnp.int32))
        rstar_fast = jnp.min(jnp.where(eq, rflat, _BIG))

        def tie_path(_):
            qv = jnp.min(jnp.where(eq, qidx, _BIG))
            tmp = jnp.where(eq & (qidx == qv), gmax, _NEG)
            mr = jnp.max(tmp)
            hit = tmp == mr
            kv = jnp.max(jnp.where(hit, vkey, -1))
            return jnp.min(jnp.where(hit & (vkey == kv), rflat, _BIG))

        rstar = lax.cond(cnt > 1, tie_path, lambda _: rstar_fast, 0)
        onr = rflat == rstar
        m_raw = jnp.max(jnp.where(onr, gmax, _NEG))
        istar = rstar // nl
        lstar = rstar % nl
        onl = lane1 == lstar
        qstar = rstar // 256
        bval = bls_ref[qstar]
        slab = logp3_ref[pl.ds(istar, 1)].reshape(nj, nl)
        gv = jnp.where(lio == lstar, slab, _NEG)
        eqg = gv == m_raw
        jstar = jnp.max(jnp.where(eqg, jio, -1))
        keep = (gv < m_raw) | (eqg & (jio < jstar))
        nxt = jnp.max(jnp.where(keep, gv, _NEG))
        gmax = jnp.where(onr, nxt, gmax)
        adj = jnp.where(onr, nxt + bval, adj)
        vstar = (istar % 2) * 16384 + lstar * nl + jstar
        sel = lane1 == t
        topp = jnp.where(sel, m_adj, topp)
        qa = jnp.where(sel, qstar, qa)
        wa = jnp.where(sel, vstar, wa)
        return adj, gmax, topp, qa, wa

    init = (
        adj0,
        gmax_ref[:],
        jnp.full((1, nl), _NEG, jnp.float32),
        jnp.zeros((1, nl), jnp.int32),
        jnp.zeros((1, nl), jnp.int32),
    )
    _, _, topp, qa, wa = lax.fori_loop(0, 128, step, init)
    topp_ref[:] = topp
    q_ref[:] = qa
    w_ref[:] = wa


def _tc_topk(logp3, blsg, bls):
    return pl.pallas_call(
        _topk_body,
        in_specs=[
            pl.BlockSpec(memory_space=pltpu.VMEM),
            pl.BlockSpec(memory_space=pltpu.VMEM),
            pl.BlockSpec(memory_space=pltpu.SMEM),
        ],
        out_shape=[
            jax.ShapeDtypeStruct((1, 128), jnp.float32),
            jax.ShapeDtypeStruct((1, 128), jnp.int32),
            jax.ShapeDtypeStruct((1, 128), jnp.int32),
        ],
        scratch_shapes=[pltpu.VMEM((256, 128), jnp.float32)],
    )(logp3, blsg, bls)


def _sc_gather_rows(table2, rr):
    info = plsc.get_sparse_core_info()
    nc = info.num_cores
    mesh = plsc.VectorSubcoreMesh(core_axis_name="c", subcore_axis_name="s")

    @functools.partial(
        pl.kernel,
        mesh=mesh,
        out_type=jax.ShapeDtypeStruct((128, 128), jnp.float32),
        scratch_types=[
            pltpu.VMEM((16,), jnp.int32),
            pltpu.VMEM((16, 128), jnp.float32),
            pltpu.SemaphoreType.DMA,
        ],
    )
    def gk(table_hbm, rr_hbm, out_hbm, idx_v, rows_v, sem):
        wid = lax.axis_index("s") * nc + lax.axis_index("c")

        @pl.when(wid < 8)
        def _():
            base = wid * 16
            pltpu.sync_copy(rr_hbm.at[pl.ds(base, 16)], idx_v)
            pltpu.async_copy(table_hbm.at[idx_v], rows_v, sem).wait()
            pltpu.sync_copy(rows_v, out_hbm.at[pl.ds(base, 16)])

    return gk(table2, rr)


def _lane_sel_body(rows_ref, llcol_ref, out_ref):
    lio = lax.broadcasted_iota(jnp.int32, (128, 128), 1)
    sel = lio == llcol_ref[:]
    out_ref[:] = jnp.max(
        jnp.where(sel, rows_ref[:], _NEG), axis=1, keepdims=True
    )


def _tc_lane_sel(rows, llcol):
    return pl.pallas_call(
        _lane_sel_body,
        out_shape=jax.ShapeDtypeStruct((128, 1), jnp.float32),
    )(rows, llcol)


def kernel(logprobsf, unaug_logprobsf, beam_logprobs_sum, k):
    b, v = logprobsf.shape
    logp3 = (
        logprobsf.reshape(b, 2, 128, 128)
        .transpose(0, 1, 3, 2)
        .reshape(2 * b, 128, 128)
    )
    blsg = jnp.broadcast_to(
        jnp.repeat(beam_logprobs_sum, 2)[:, None], (256, 128)
    )
    topp, qa, wa = _tc_topk(logp3, blsg, beam_logprobs_sum)
    top_p = topp.reshape(128)
    q_sel = qa.reshape(128)
    new_words = wa.reshape(128)
    rr = q_sel * (v // 128) + new_words // 128
    ll = new_words % 128
    rows = _sc_gather_rows(unaug_logprobsf.reshape(b * v // 128, 128), rr)
    new_r = _tc_lane_sel(rows, ll[:, None]).reshape(128)
    return new_words, top_p, new_r, q_sel

# --- scband reference (transcript-rebuilt; emitter-appended) ---
"""Pipeline reference for scband-caption-model-28827820491313 (READ-ONLY COPY).

The authoritative reference and input builder live on the scoring server;
editing this copy changes nothing except your own understanding.
"""

import jax, jax.numpy as jnp
import numpy as np

B = 128      # beam rows (beam_size / bdash candidates per step)
V = 32768    # vocabulary size (kv_len slot from LANG_SAMPLING pool)
K = 128      # beam_size (top-k width)


def setup_inputs(seed: int = 0) -> dict:
    key = jax.random.key(seed)
    k1, k2, k3 = jax.random.split(key, 3)
    logprobsf = jax.random.normal(k1, (B, V), dtype=jnp.float32)
    unaug_logprobsf = jax.random.normal(k2, (B, V), dtype=jnp.float32)
    beam_logprobs_sum = jax.random.normal(k3, (B,), dtype=jnp.float32)
    return {
        "logprobsf": logprobsf,
        "unaug_logprobsf": unaug_logprobsf,
        "beam_logprobs_sum": beam_logprobs_sum,
        "k": K,
    }


def reference(logprobsf, unaug_logprobsf, beam_logprobs_sum, k):
    # Vectorized, faithful translation of CaptionModel.beam_step (t >= 1 path):
    #   ys, ix = torch.sort(logprobsf, 1, True)   (descending full sort over vocab)
    k_static = logprobsf.shape[0]
    order = jnp.argsort(logprobsf, axis=1)[:, ::-1]          # int indices, descending
    ix_k = order[:, :k_static]                                # ix[q, c] for c < cols
    ys_k = jnp.take_along_axis(logprobsf, ix_k, axis=1)       # ys[q, c]
    # candidate_logprob = beam_logprobs_sum[q] + local_logprob
    cand_p = beam_logprobs_sum[:, None] + ys_k                # (B, k)
    # local_unaug_logprob = unaug_logprobsf[q, ix[q, c]]
    cand_r = jnp.take_along_axis(unaug_logprobsf, ix_k, axis=1)  # (B, k)
    # candidates sorted by -p, take beam_size best
    p_flat = cand_p.reshape(-1) + jnp.zeros((), cand_p.dtype) * k  # index = q * k + c
    top_p, sel = jax.lax.top_k(p_flat, k_static)              # beam_logprobs_sum update
    q_sel = sel // k_static                                   # v['q'] : source beam
    c_sel = sel % k_static
    new_words = ix_k[q_sel, c_sel]                            # beam_seq[t, vix] = v['c']
    new_r = cand_r[q_sel, c_sel]                              # beam_seq_logprobs[t, vix] = v['r']
    return new_words, top_p, new_r, q_sel

if __name__ == "__main__":
    import jax
    _d = setup_inputs()
    print(jax.jit(kernel)(*tuple(_d.values())))

</pallas_src>

<mosaic_0001>
#map = affine_map<(d0, d1) -> (0, 0)>
#map1 = affine_map<(d0, d1) -> (0)>
module attributes {stable_mosaic.version = 14 : i64} {
  func.func @gk(%arg0: i32, %arg1: i32, %arg2: memref<32768x128xf32, #tpu.memory_space<hbm>>, %arg3: memref<128xi32, #tpu.memory_space<hbm>>, %arg4: memref<128x128xf32, #tpu.memory_space<hbm>>, %arg5: memref<16xi32, #tpu.memory_space<vmem>>, %arg6: memref<16x128xf32, #tpu.memory_space<vmem>>, %arg7: memref<!tpu.dma_semaphore, #tpu.memory_space<semaphore_mem>>) attributes {dimension_semantics = [#tpu.dimension_semantics<core_parallel>, #tpu.dimension_semantics<subcore_parallel>], iteration_bounds = array<i64: 2, 16>, scalar_prefetch = 0 : i64, scratch_operands = 3 : i64, tpu.core_type = #tpu.core_type<sc_vector_subcore>, window_params = [{transform_indices = #map}, {transform_indices = #map1}, {transform_indices = #map}]} {
    %mul3A = arith.constant 2 : i32
    %mul3A_0 = arith.muli %arg1, %mul3A : i32
    %add3A = arith.addi %mul3A_0, %arg0 : i32
    %lt3A = arith.constant 8 : i32
    %lt3A_1 = arith.cmpi slt, %add3A, %lt3A : i32
    %convert_element_type3A = arith.extui %lt3A_1 : i1 to i32
    %cond3A = arith.constant 0 : i32
    %cond3A_2 = arith.cmpi ne, %convert_element_type3A, %cond3A : i32
    scf.if %cond3A_2 {
      %mul3A_3 = arith.constant 16 : i32
      %mul3A_4 = arith.muli %add3A, %mul3A_3 : i32
      "tpu.region"() ({
        %run_scoped3A = tpu.sem_alloc : memref<!tpu.dma_semaphore, #tpu.memory_space<semaphore_mem>>
        %dma_start3A_9 = tpu.memref_slice %arg3[%mul3A_4] : memref<128xi32, #tpu.memory_space<hbm>> -> memref<16xi32, #tpu.memory_space<hbm>>
        %dma_start3A_10 = tpu.memref_slice %arg3[%mul3A_4] : memref<128xi32, #tpu.memory_space<hbm>> -> memref<16xi32, #tpu.memory_space<hbm>>
        tpu.enqueue_dma source(%dma_start3A_10 : memref<16xi32, #tpu.memory_space<hbm>>) target(%arg5 : memref<16xi32, #tpu.memory_space<vmem>>) target_semaphore(%run_scoped3A : memref<!tpu.dma_semaphore, #tpu.memory_space<semaphore_mem>>)
        %dma_wait3A_11 = tpu.memref_slice %arg3[%mul3A_4] : memref<128xi32, #tpu.memory_space<hbm>> -> memref<16xi32, #tpu.memory_space<hbm>>
        %dma_wait3A_12 = tpu.memref_slice %arg3[%mul3A_4] : memref<128xi32, #tpu.memory_space<hbm>> -> memref<16xi32, #tpu.memory_space<hbm>>
        tpu.wait_dma2 semaphore(%run_scoped3A : memref<!tpu.dma_semaphore, #tpu.memory_space<semaphore_mem>>) src(%dma_wait3A_12 : memref<16xi32, #tpu.memory_space<hbm>>) dst(%arg5 : memref<16xi32, #tpu.memory_space<vmem>>)
        tpu.yield
      }) : () -> ()
      %dma_start3A = arith.constant 0 : i32
      %dma_start3A_5 = arith.constant 0 : i32
      %dma_start3A_6 = tpu.memref_slice %arg2[%dma_start3A, %dma_start3A_5] : memref<32768x128xf32, #tpu.memory_space<hbm>> -> memref<32768x128xf32, #tpu.memory_space<hbm>>
      tpu.enqueue_indirect_dma source(%dma_start3A_6 : memref<32768x128xf32, #tpu.memory_space<hbm>>) target(%arg6 : memref<16x128xf32, #tpu.memory_space<vmem>>) offsets(%arg5 : memref<16xi32, #tpu.memory_space<vmem>>) semaphore(%arg7 : memref<!tpu.dma_semaphore, #tpu.memory_space<semaphore_mem>>)
      %dma_wait3A = arith.constant 0 : i32
      %dma_wait3A_7 = arith.constant 0 : i32
      %dma_wait3A_8 = tpu.memref_slice %arg2[%dma_wait3A, %dma_wait3A_7] : memref<32768x128xf32, #tpu.memory_space<hbm>> -> memref<32768x128xf32, #tpu.memory_space<hbm>>
      tpu.wait_indirect_dma semaphore(%arg7 : memref<!tpu.dma_semaphore, #tpu.memory_space<semaphore_mem>>) src(%dma_wait3A_8 : memref<32768x128xf32, #tpu.memory_space<hbm>>) dst(%arg6 : memref<16x128xf32, #tpu.memory_space<vmem>>)
      "tpu.region"() ({
        %run_scoped3A = tpu.sem_alloc : memref<!tpu.dma_semaphore, #tpu.memory_space<semaphore_mem>>
        %dma_start3A_9 = arith.constant 0 : i32
        %dma_start3A_10 = tpu.memref_slice %arg4[%mul3A_4, %dma_start3A_9] : memref<128x128xf32, #tpu.memory_space<hbm>> -> memref<16x128xf32, #tpu.memory_space<hbm>>
        %dma_start3A_11 = arith.constant 0 : i32
        %dma_start3A_12 = tpu.memref_slice %arg4[%mul3A_4, %dma_start3A_11] : memref<128x128xf32, #tpu.memory_space<hbm>> -> memref<16x128xf32, #tpu.memory_space<hbm>>
        tpu.enqueue_dma source(%arg6 : memref<16x128xf32, #tpu.memory_space<vmem>>) target(%dma_start3A_12 : memref<16x128xf32, #tpu.memory_space<hbm>>) target_semaphore(%run_scoped3A : memref<!tpu.dma_semaphore, #tpu.memory_space<semaphore_mem>>)
        %dma_wait3A_13 = arith.constant 0 : i32
        %dma_wait3A_14 = tpu.memref_slice %arg4[%mul3A_4, %dma_wait3A_13] : memref<128x128xf32, #tpu.memory_space<hbm>> -> memref<16x128xf32, #tpu.memory_space<hbm>>
        %dma_wait3A_15 = arith.constant 0 : i32
        %dma_wait3A_16 = tpu.memref_slice %arg4[%mul3A_4, %dma_wait3A_15] : memref<128x128xf32, #tpu.memory_space<hbm>> -> memref<16x128xf32, #tpu.memory_space<hbm>>
        tpu.wait_dma2 semaphore(%run_scoped3A : memref<!tpu.dma_semaphore, #tpu.memory_space<semaphore_mem>>) src(%arg6 : memref<16x128xf32, #tpu.memory_space<vmem>>) dst(%dma_wait3A_16 : memref<16x128xf32, #tpu.memory_space<hbm>>)
        tpu.yield
      }) : () -> ()
    } else {
    }
    return
  }
}

module attributes {stable_mosaic.version = 14 : i64} {
  func.func @_topk_body(%arg0: memref<256x128x128xf32, #tpu.memory_space<vmem>>, %arg1: memref<256x128xf32, #tpu.memory_space<vmem>>, %arg2: memref<128xf32, #tpu.memory_space<smem>>, %arg3: memref<1x128xf32, #tpu.memory_space<vmem>>, %arg4: memref<1x128xi32, #tpu.memory_space<vmem>>, %arg5: memref<1x128xi32, #tpu.memory_space<vmem>>, %arg6: memref<256x128xf32, #tpu.memory_space<vmem>>) attributes {dimension_semantics = [], scalar_prefetch = 0 : i64, scratch_operands = 1 : i64, tpu.core_type = #tpu.core_type<tc>} {
    %scan3A = arith.constant 0 : i32
    %scan3A_0 = arith.constant 32 : i32
    %scan3A_1 = arith.addi %scan3A, %scan3A_0 : i32
    %scan3A_2 = arith.constant 1 : i32
    scf.for %scan3A_85 = %scan3A to %scan3A_1 step %scan3A_2  : i32 {
      %mul3A_86 = arith.constant 8 : i32
      %mul3A_87 = arith.muli %scan3A_85, %mul3A_86 : i32
      %get3A_88 = arith.index_cast %mul3A_87 : i32 to index
      %get3A_89 = arith.constant 0 : index
      %get3A_90 = arith.constant 0 : index
      %get3A_91 = vector.load %arg0[%get3A_88, %get3A_89, %get3A_90] : memref<256x128x128xf32, #tpu.memory_space<vmem>>, vector<8x128x128xf32>
      %reduce_max3A = arith.constant dense<0xFF800000> : vector<8x128xf32>
      %reduce_max3A_92 = vector.multi_reduction <maximumf>, %get3A_91, %reduce_max3A [1] : vector<8x128x128xf32> to vector<8x128xf32>
      %mul3A_93 = arith.constant 8 : i32
      %mul3A_94 = arith.muli %scan3A_85, %mul3A_93 : i32
      %swap3A_95 = arith.index_cast %mul3A_94 : i32 to index
      %swap3A_96 = arith.constant 0 : index
      %swap3A_97 = vector.load %arg6[%swap3A_95, %swap3A_96] : memref<256x128xf32, #tpu.memory_space<vmem>>, vector<8x128xf32>
      tpu.vector_store %arg6[%swap3A_95, %swap3A_96], %reduce_max3A_92 {strides = array<i32>} : memref<256x128xf32, #tpu.memory_space<vmem>>, vector<8x128xf32>,
    }
    %scan3A_3 = arith.constant 32 : i32
    %get3A = arith.constant 0 : index
    %get3A_4 = arith.constant 0 : index
    %get3A_5 = vector.load %arg6[%get3A, %get3A_4] : memref<256x128xf32, #tpu.memory_space<vmem>>, vector<256x128xf32>
    %get3A_6 = arith.constant 0 : index
    %get3A_7 = arith.constant 0 : index
    %get3A_8 = vector.load %arg1[%get3A_6, %get3A_7] : memref<256x128xf32, #tpu.memory_space<vmem>>, vector<256x128xf32>
    %add3A = arith.addf %get3A_5, %get3A_8 : vector<256x128xf32>
    %iota3A = tpu.iota {dimensions = array<i32: 0>} : vector<256x128xi32>
    %iota3A_9 = tpu.iota {dimensions = array<i32: 1>} : vector<256x128xi32>
    %mul3A = arith.constant 128 : i32
    %mul3A_10 = vector.broadcast %mul3A : i32 to vector<256x128xi32>
    %mul3A_11 = arith.muli %iota3A, %mul3A_10 : vector<256x128xi32>
    %add3A_12 = arith.addi %mul3A_11, %iota3A_9 : vector<256x128xi32>
    %jit3A = arith.constant 2 : i32
    %div3A = vector.broadcast %jit3A : i32 to vector<256x128xi32>
    %div3A_13 = arith.divsi %iota3A, %div3A : vector<256x128xi32>
    %sign3A = arith.constant 0 : i32
    %sign3A_14 = vector.broadcast %sign3A : i32 to vector<256x128xi32>
    %sign3A_15 = arith.cmpi sgt, %iota3A, %sign3A_14 : vector<256x128xi32>
    %sign3A_16 = arith.extui %sign3A_15 : vector<256x128xi1> to vector<256x128xi32>
    %sign3A_17 = arith.constant 0 : i32
    %sign3A_18 = vector.broadcast %sign3A_17 : i32 to vector<256x128xi32>
    %sign3A_19 = arith.cmpi slt, %iota3A, %sign3A_18 : vector<256x128xi32>
    %sign3A_20 = arith.extui %sign3A_19 : vector<256x128xi1> to vector<256x128xi32>
    %sign3A_21 = arith.subi %sign3A_16, %sign3A_20 : vector<256x128xi32>
    %sign3A_22 = arith.constant 0 : i32
    %sign3A_23 = arith.cmpi sgt, %jit3A, %sign3A_22 : i32
    %sign3A_24 = arith.extui %sign3A_23 : i1 to i32
    %sign3A_25 = arith.constant 0 : i32
    %sign3A_26 = arith.cmpi slt, %jit3A, %sign3A_25 : i32
    %sign3A_27 = arith.extui %sign3A_26 : i1 to i32
    %sign3A_28 = arith.subi %sign3A_24, %sign3A_27 : i32
    %ne3A = vector.broadcast %sign3A_28 : i32 to vector<256x128xi32>
    %ne3A_29 = arith.cmpi ne, %sign3A_21, %ne3A : vector<256x128xi32>
    %rem3A = vector.broadcast %jit3A : i32 to vector<256x128xi32>
    %rem3A_30 = arith.remsi %iota3A, %rem3A : vector<256x128xi32>
    %ne3A_31 = arith.constant 0 : i32
    %ne3A_32 = vector.broadcast %ne3A_31 : i32 to vector<256x128xi32>
    %ne3A_33 = arith.cmpi ne, %rem3A_30, %ne3A_32 : vector<256x128xi32>
    %and3A = arith.andi %ne3A_29, %ne3A_33 : vector<256x128xi1>
    %sub3A = arith.constant 1 : i32
    %sub3A_34 = vector.broadcast %sub3A : i32 to vector<256x128xi32>
    %sub3A_35 = arith.subi %div3A_13, %sub3A_34 : vector<256x128xi32>
    %select_n3A = arith.select %and3A, %sub3A_35, %div3A_13 : vector<256x128xi1>, vector<256x128xi32>
    %jit3A_36 = arith.constant 2 : i32
    %eq3A = arith.constant 0 : i32
    %eq3A_37 = arith.cmpi eq, %jit3A_36, %eq3A : i32
    %jit3A_38 = arith.constant 1 : i32
    %select_n3A_39 = arith.select %eq3A_37, %jit3A_38, %jit3A_36 : i32
    %rem3A_40 = vector.broadcast %select_n3A_39 : i32 to vector<256x128xi32>
    %rem3A_41 = arith.remsi %iota3A, %rem3A_40 : vector<256x128xi32>
    %ne3A_42 = arith.constant 0 : i32
    %ne3A_43 = vector.broadcast %ne3A_42 : i32 to vector<256x128xi32>
    %ne3A_44 = arith.cmpi ne, %rem3A_41, %ne3A_43 : vector<256x128xi32>
    %lt3A = arith.constant 0 : i32
    %lt3A_45 = vector.broadcast %lt3A : i32 to vector<256x128xi32>
    %lt3A_46 = arith.cmpi slt, %rem3A_41, %lt3A_45 : vector<256x128xi32>
    %lt3A_47 = arith.constant 0 : i32
    %lt3A_48 = arith.cmpi slt, %select_n3A_39, %lt3A_47 : i32
    %ne3A_49 = vector.broadcast %lt3A_48 : i1 to vector<256x128xi1>
    %ne3A_50 = vector.broadcast %ne3A_49 : vector<256x128xi1> to vector<256x128xi1>
    %ne3A_51 = arith.xori %lt3A_46, %ne3A_50 : vector<256x128xi1>
    %and3A_52 = arith.andi %ne3A_51, %ne3A_44 : vector<256x128xi1>
    %add3A_53 = vector.broadcast %select_n3A_39 : i32 to vector<256x128xi32>
    %add3A_54 = arith.addi %rem3A_41, %add3A_53 : vector<256x128xi32>
    %select_n3A_55 = arith.select %and3A_52, %add3A_54, %rem3A_41 : vector<256x128xi1>, vector<256x128xi32>
    %mul3A_56 = arith.constant 128 : i32
    %mul3A_57 = vector.broadcast %mul3A_56 : i32 to vector<256x128xi32>
    %mul3A_58 = arith.muli %select_n3A_55, %mul3A_57 : vector<256x128xi32>
    %add3A_59 = arith.addi %mul3A_58, %iota3A_9 : vector<256x128xi32>
    %iota3A_60 = tpu.iota {dimensions = array<i32: 1>} : vector<1x128xi32>
    %iota3A_61 = tpu.iota {dimensions = array<i32: 0>} : vector<128x128xi32>
    %iota3A_62 = tpu.iota {dimensions = array<i32: 1>} : vector<128x128xi32>
    %get3A_63 = arith.constant 0 : index
    %get3A_64 = arith.constant 0 : index
    %get3A_65 = vector.load %arg6[%get3A_63, %get3A_64] : memref<256x128xf32, #tpu.memory_space<vmem>>, vector<256x128xf32>
    %broadcast_in_dim3A = arith.constant 0xFF800000 : f32
    %broadcast_in_dim3A_66 = vector.broadcast %broadcast_in_dim3A : f32 to vector<1x128xf32>
    %broadcast_in_dim3A_67 = arith.constant 0 : i32
    %broadcast_in_dim3A_68 = vector.broadcast %broadcast_in_dim3A_67 : i32 to vector<1x128xi32>
    %broadcast_in_dim3A_69 = arith.constant 0 : i32
    %broadcast_in_dim3A_70 = vector.broadcast %broadcast_in_dim3A_69 : i32 to vector<1x128xi32>
    %scan3A_71 = arith.constant 0 : i32
    %scan3A_72 = arith.constant 128 : i32
    %scan3A_73 = arith.addi %scan3A_71, %scan3A_72 : i32
    %scan3A_74 = arith.constant 1 : i32
    %scan3A_75:5 = scf.for %scan3A_85 = %scan3A_71 to %scan3A_73 step %scan3A_74 iter_args(%scan3A_86 = %add3A, %scan3A_87 = %get3A_65, %scan3A_88 = %broadcast_in_dim3A_66, %scan3A_89 = %broadcast_in_dim3A_68, %scan3A_90 = %broadcast_in_dim3A_70) -> (vector<256x128xf32>, vector<256x128xf32>, vector<1x128xf32>, vector<1x128xi32>, vector<1x128xi32>)  : i32 {
      %reduce_max3A = vector.shape_cast %scan3A_86 : vector<256x128xf32> to vector<1x256x128xf32>
      %reduce_max3A_91 = arith.constant dense<0xFF800000> : vector<1xf32>
      %reduce_max3A_92 = vector.multi_reduction <maximumf>, %reduce_max3A, %reduce_max3A_91 [1, 2] : vector<1x256x128xf32> to vector<1xf32>
      %reduce_max3A_93 = vector.shape_cast %reduce_max3A_92 : vector<1xf32> to vector<1x1x1xf32>
      %reduce_max3A_94 = vector.extract %reduce_max3A_93[0, 0, 0] : f32 from vector<1x1x1xf32>
      %eq3A_95 = vector.broadcast %reduce_max3A_94 : f32 to vector<256x128xf32>
      %eq3A_96 = arith.cmpf oeq, %scan3A_86, %eq3A_95 : vector<256x128xf32>
      %convert_element_type3A = arith.extui %eq3A_96 : vector<256x128xi1> to vector<256x128xi32>
      %reduce_sum3A = vector.shape_cast %convert_element_type3A : vector<256x128xi32> to vector<1x256x128xi32>
      %reduce_sum3A_97 = arith.constant dense<0> : vector<1xi32>
      %reduce_sum3A_98 = vector.multi_reduction <add>, %reduce_sum3A, %reduce_sum3A_97 [1, 2] : vector<1x256x128xi32> to vector<1xi32>
      %reduce_sum3A_99 = vector.shape_cast %reduce_sum3A_98 : vector<1xi32> to vector<1x1x1xi32>
      %reduce_sum3A_100 = vector.extract %reduce_sum3A_99[0, 0, 0] : i32 from vector<1x1x1xi32>
      %jit3A_101 = arith.constant 1073741824 : i32
      %broadcast_in_dim3A_102 = vector.broadcast %jit3A_101 : i32 to vector<256x128xi32>
      %select_n3A_103 = arith.select %eq3A_96, %add3A_12, %broadcast_in_dim3A_102 : vector<256x128xi1>, vector<256x128xi32>
      %reduce_min3A = vector.shape_cast %select_n3A_103 : vector<256x128xi32> to vector<1x256x128xi32>
      %reduce_min3A_104 = arith.constant dense<2147483647> : vector<1xi32>
      %reduce_min3A_105 = vector.multi_reduction <minsi>, %reduce_min3A, %reduce_min3A_104 [1, 2] : vector<1x256x128xi32> to vector<1xi32>
      %reduce_min3A_106 = vector.shape_cast %reduce_min3A_105 : vector<1xi32> to vector<1x1x1xi32>
      %reduce_min3A_107 = vector.extract %reduce_min3A_106[0, 0, 0] : i32 from vector<1x1x1xi32>
      %gt3A = arith.constant 1 : i32
      %gt3A_108 = arith.cmpi sgt, %reduce_sum3A_100, %gt3A : i32
      %convert_element_type3A_109 = arith.extui %gt3A_108 : i1 to i32
      %cond3A = arith.constant 0 : i32
      %cond3A_110 = arith.cmpi ne, %convert_element_type3A_109, %cond3A : i32
      %cond3A_111 = scf.if %cond3A_110 -> (i32) {
        %jit3A_255 = arith.constant 1073741824 : i32
        %broadcast_in_dim3A_256 = vector.broadcast %jit3A_255 : i32 to vector<256x128xi32>
        %select_n3A_257 = arith.select %eq3A_96, %select_n3A, %broadcast_in_dim3A_256 : vector<256x128xi1>, vector<256x128xi32>
        %reduce_min3A_258 = vector.shape_cast %select_n3A_257 : vector<256x128xi32> to vector<1x256x128xi32>
        %reduce_min3A_259 = arith.constant dense<2147483647> : vector<1xi32>
        %reduce_min3A_260 = vector.multi_reduction <minsi>, %reduce_min3A_258, %reduce_min3A_259 [1, 2] : vector<1x256x128xi32> to vector<1xi32>
        %reduce_min3A_261 = vector.shape_cast %reduce_min3A_260 : vector<1xi32> to vector<1x1x1xi32>
        %reduce_min3A_262 = vector.extract %reduce_min3A_261[0, 0, 0] : i32 from vector<1x1x1xi32>
        %eq3A_263 = vector.broadcast %reduce_min3A_262 : i32 to vector<256x128xi32>
        %eq3A_264 = arith.cmpi eq, %select_n3A, %eq3A_263 : vector<256x128xi32>
        %and3A_265 = arith.andi %eq3A_96, %eq3A_264 : vector<256x128xi1>
        %jit3A_266 = arith.constant 0xFF800000 : f32
        %broadcast_in_dim3A_267 = vector.broadcast %jit3A_266 : f32 to vector<256x128xf32>
        %select_n3A_268 = arith.select %and3A_265, %scan3A_87, %broadcast_in_dim3A_267 : vector<256x128xi1>, vector<256x128xf32>
        %reduce_max3A_269 = vector.shape_cast %select_n3A_268 : vector<256x128xf32> to vector<1x256x128xf32>
        %reduce_max3A_270 = arith.constant dense<0xFF800000> : vector<1xf32>
        %reduce_max3A_271 = vector.multi_reduction <maximumf>, %reduce_max3A_269, %reduce_max3A_270 [1, 2] : vector<1x256x128xf32> to vector<1xf32>
        %reduce_max3A_272 = vector.shape_cast %reduce_max3A_271 : vector<1xf32> to vector<1x1x1xf32>
        %reduce_max3A_273 = vector.extract %reduce_max3A_272[0, 0, 0] : f32 from vector<1x1x1xf32>
        %eq3A_274 = vector.broadcast %reduce_max3A_273 : f32 to vector<256x128xf32>
        %eq3A_275 = arith.cmpf oeq, %select_n3A_268, %eq3A_274 : vector<256x128xf32>
        %jit3A_276 = arith.constant -1 : i32
        %broadcast_in_dim3A_277 = vector.broadcast %jit3A_276 : i32 to vector<256x128xi32>
        %select_n3A_278 = arith.select %eq3A_275, %add3A_59, %broadcast_in_dim3A_277 : vector<256x128xi1>, vector<256x128xi32>
        %reduce_max3A_279 = vector.shape_cast %select_n3A_278 : vector<256x128xi32> to vector<1x256x128xi32>
        %reduce_max3A_280 = arith.constant dense<-2147483648> : vector<1xi32>
        %reduce_max3A_281 = vector.multi_reduction <maxsi>, %reduce_max3A_279, %reduce_max3A_280 [1, 2] : vector<1x256x128xi32> to vector<1xi32>
        %reduce_max3A_282 = vector.shape_cast %reduce_max3A_281 : vector<1xi32> to vector<1x1x1xi32>
        %reduce_max3A_283 = vector.extract %reduce_max3A_282[0, 0, 0] : i32 from vector<1x1x1xi32>
        %eq3A_284 = vector.broadcast %reduce_max3A_283 : i32 to vector<256x128xi32>
        %eq3A_285 = arith.cmpi eq, %add3A_59, %eq3A_284 : vector<256x128xi32>
        %and3A_286 = arith.andi %eq3A_275, %eq3A_285 : vector<256x128xi1>
        %jit3A_287 = arith.constant 1073741824 : i32
        %broadcast_in_dim3A_288 = vector.broadcast %jit3A_287 : i32 to vector<256x128xi32>
        %select_n3A_289 = arith.select %and3A_286, %add3A_12, %broadcast_in_dim3A_288 : vector<256x128xi1>, vector<256x128xi32>
        %reduce_min3A_290 = vector.shape_cast %select_n3A_289 : vector<256x128xi32> to vector<1x256x128xi32>
        %reduce_min3A_291 = arith.constant dense<2147483647> : vector<1xi32>
        %reduce_min3A_292 = vector.multi_reduction <minsi>, %reduce_min3A_290, %reduce_min3A_291 [1, 2] : vector<1x256x128xi32> to vector<1xi32>
        %reduce_min3A_293 = vector.shape_cast %reduce_min3A_292 : vector<1xi32> to vector<1x1x1xi32>
        %reduce_min3A_294 = vector.extract %reduce_min3A_293[0, 0, 0] : i32 from vector<1x1x1xi32>
        scf.yield %reduce_min3A_294 : i32
      } else {
        scf.yield %reduce_min3A_107 : i32
      }
      %eq3A_112 = vector.broadcast %cond3A_111 : i32 to vector<256x128xi32>
      %eq3A_113 = arith.cmpi eq, %add3A_12, %eq3A_112 : vector<256x128xi32>
      %jit3A_114 = arith.constant 0xFF800000 : f32
      %broadcast_in_dim3A_115 = vector.broadcast %jit3A_114 : f32 to vector<256x128xf32>
      %select_n3A_116 = arith.select %eq3A_113, %scan3A_87, %broadcast_in_dim3A_115 : vector<256x128xi1>, vector<256x128xf32>
      %reduce_max3A_117 = vector.shape_cast %select_n3A_116 : vector<256x128xf32> to vector<1x256x128xf32>
      %reduce_max3A_118 = arith.constant dense<0xFF800000> : vector<1xf32>
      %reduce_max3A_119 = vector.multi_reduction <maximumf>, %reduce_max3A_117, %reduce_max3A_118 [1, 2] : vector<1x256x128xf32> to vector<1xf32>
      %reduce_max3A_120 = vector.shape_cast %reduce_max3A_119 : vector<1xf32> to vector<1x1x1xf32>
      %reduce_max3A_121 = vector.extract %reduce_max3A_120[0, 0, 0] : f32 from vector<1x1x1xf32>
      %jit3A_122 = arith.constant 128 : i32
      %div3A_123 = arith.divsi %cond3A_111, %jit3A_122 : i32
      %sign3A_124 = arith.constant 0 : i32
      %sign3A_125 = arith.cmpi sgt, %cond3A_111, %sign3A_124 : i32
      %sign3A_126 = arith.extui %sign3A_125 : i1 to i32
      %sign3A_127 = arith.constant 0 : i32
      %sign3A_128 = arith.cmpi slt, %cond3A_111, %sign3A_127 : i32
      %sign3A_129 = arith.extui %sign3A_128 : i1 to i32
      %sign3A_130 = arith.subi %sign3A_126, %sign3A_129 : i32
      %sign3A_131 = arith.constant 0 : i32
      %sign3A_132 = arith.cmpi sgt, %jit3A_122, %sign3A_131 : i32
      %sign3A_133 = arith.extui %sign3A_132 : i1 to i32
      %sign3A_134 = arith.constant 0 : i32
      %sign3A_135 = arith.cmpi slt, %jit3A_122, %sign3A_134 : i32
      %sign3A_136 = arith.extui %sign3A_135 : i1 to i32
      %sign3A_137 = arith.subi %sign3A_133, %sign3A_136 : i32
      %ne3A_138 = arith.cmpi ne, %sign3A_130, %sign3A_137 : i32
      %rem3A_139 = arith.remsi %cond3A_111, %jit3A_122 : i32
      %ne3A_140 = arith.constant 0 : i32
      %ne3A_141 = arith.cmpi ne, %rem3A_139, %ne3A_140 : i32
      %and3A_142 = arith.andi %ne3A_138, %ne3A_141 : i1
      %sub3A_143 = arith.constant 1 : i32
      %sub3A_144 = arith.subi %div3A_123, %sub3A_143 : i32
      %select_n3A_145 = arith.select %and3A_142, %sub3A_144, %div3A_123 : i32
      %jit3A_146 = arith.constant 128 : i32
      %eq3A_147 = arith.constant 0 : i32
      %eq3A_148 = arith.cmpi eq, %jit3A_146, %eq3A_147 : i32
      %jit3A_149 = arith.constant 1 : i32
      %select_n3A_150 = arith.select %eq3A_148, %jit3A_149, %jit3A_146 : i32
      %rem3A_151 = arith.remsi %cond3A_111, %select_n3A_150 : i32
      %ne3A_152 = arith.constant 0 : i32
      %ne3A_153 = arith.cmpi ne, %rem3A_151, %ne3A_152 : i32
      %lt3A_154 = arith.constant 0 : i32
      %lt3A_155 = arith.cmpi slt, %rem3A_151, %lt3A_154 : i32
      %lt3A_156 = arith.constant 0 : i32
      %lt3A_157 = arith.cmpi slt, %select_n3A_150, %lt3A_156 : i32
      %ne3A_158 = arith.xori %lt3A_155, %lt3A_157 : i1
      %and3A_159 = arith.andi %ne3A_158, %ne3A_153 : i1
      %add3A_160 = arith.addi %rem3A_151, %select_n3A_150 : i32
      %select_n3A_161 = arith.select %and3A_159, %add3A_160, %rem3A_151 : i32
      %jit3A_162 = arith.constant 256 : i32
      %div3A_163 = arith.divsi %cond3A_111, %jit3A_162 : i32
      %sign3A_164 = arith.constant 0 : i32
      %sign3A_165 = arith.cmpi sgt, %cond3A_111, %sign3A_164 : i32
      %sign3A_166 = arith.extui %sign3A_165 : i1 to i32
      %sign3A_167 = arith.constant 0 : i32
      %sign3A_168 = arith.cmpi slt, %cond3A_111, %sign3A_167 : i32
      %sign3A_169 = arith.extui %sign3A_168 : i1 to i32
      %sign3A_170 = arith.subi %sign3A_166, %sign3A_169 : i32
      %sign3A_171 = arith.constant 0 : i32
      %sign3A_172 = arith.cmpi sgt, %jit3A_162, %sign3A_171 : i32
      %sign3A_173 = arith.extui %sign3A_172 : i1 to i32
      %sign3A_174 = arith.constant 0 : i32
      %sign3A_175 = arith.cmpi slt, %jit3A_162, %sign3A_174 : i32
      %sign3A_176 = arith.extui %sign3A_175 : i1 to i32
      %sign3A_177 = arith.subi %sign3A_173, %sign3A_176 : i32
      %ne3A_178 = arith.cmpi ne, %sign3A_170, %sign3A_177 : i32
      %rem3A_179 = arith.remsi %cond3A_111, %jit3A_162 : i32
      %ne3A_180 = arith.constant 0 : i32
      %ne3A_181 = arith.cmpi ne, %rem3A_179, %ne3A_180 : i32
      %and3A_182 = arith.andi %ne3A_178, %ne3A_181 : i1
      %sub3A_183 = arith.constant 1 : i32
      %sub3A_184 = arith.subi %div3A_163, %sub3A_183 : i32
      %select_n3A_185 = arith.select %and3A_182, %sub3A_184, %div3A_163 : i32
      %get3A_186 = arith.index_cast %select_n3A_185 : i32 to index
      %get3A_187 = memref.load %arg2[%get3A_186] : memref<128xf32, #tpu.memory_space<smem>>
      %get3A_188 = arith.index_cast %select_n3A_145 : i32 to index
      %get3A_189 = arith.constant 0 : index
      %get3A_190 = arith.constant 0 : index
      %get3A_191 = vector.load %arg0[%get3A_188, %get3A_189, %get3A_190] : memref<256x128x128xf32, #tpu.memory_space<vmem>>, vector<1x128x128xf32>
      %reshape3A = vector.shape_cast %get3A_191 : vector<1x128x128xf32> to vector<128x128xf32>
      %eq3A_192 = vector.broadcast %select_n3A_161 : i32 to vector<128x128xi32>
      %eq3A_193 = arith.cmpi eq, %iota3A_62, %eq3A_192 : vector<128x128xi32>
      %jit3A_194 = arith.constant 0xFF800000 : f32
      %broadcast_in_dim3A_195 = vector.broadcast %jit3A_194 : f32 to vector<128x128xf32>
      %select_n3A_196 = arith.select %eq3A_193, %reshape3A, %broadcast_in_dim3A_195 : vector<128x128xi1>, vector<128x128xf32>
      %eq3A_197 = vector.broadcast %reduce_max3A_121 : f32 to vector<128x128xf32>
      %eq3A_198 = arith.cmpf oeq, %select_n3A_196, %eq3A_197 : vector<128x128xf32>
      %jit3A_199 = arith.constant -1 : i32
      %broadcast_in_dim3A_200 = vector.broadcast %jit3A_199 : i32 to vector<128x128xi32>
      %select_n3A_201 = arith.select %eq3A_198, %iota3A_61, %broadcast_in_dim3A_200 : vector<128x128xi1>, vector<128x128xi32>
      %reduce_max3A_202 = vector.shape_cast %select_n3A_201 : vector<128x128xi32> to vector<1x128x128xi32>
      %reduce_max3A_203 = arith.constant dense<-2147483648> : vector<1xi32>
      %reduce_max3A_204 = vector.multi_reduction <maxsi>, %reduce_max3A_202, %reduce_max3A_203 [1, 2] : vector<1x128x128xi32> to vector<1xi32>
      %reduce_max3A_205 = vector.shape_cast %reduce_max3A_204 : vector<1xi32> to vector<1x1x1xi32>
      %reduce_max3A_206 = vector.extract %reduce_max3A_205[0, 0, 0] : i32 from vector<1x1x1xi32>
      %lt3A_207 = vector.broadcast %reduce_max3A_121 : f32 to vector<128x128xf32>
      %lt3A_208 = arith.cmpf olt, %select_n3A_196, %lt3A_207 : vector<128x128xf32>
      %lt3A_209 = vector.broadcast %reduce_max3A_206 : i32 to vector<128x128xi32>
      %lt3A_210 = arith.cmpi slt, %iota3A_61, %lt3A_209 : vector<128x128xi32>
      %and3A_211 = arith.andi %eq3A_198, %lt3A_210 : vector<128x128xi1>
      %or3A = arith.ori %lt3A_208, %and3A_211 : vector<128x128xi1>
      %jit3A_212 = arith.constant 0xFF800000 : f32
      %broadcast_in_dim3A_213 = vector.broadcast %jit3A_212 : f32 to vector<128x128xf32>
      %select_n3A_214 = arith.select %or3A, %select_n3A_196, %broadcast_in_dim3A_213 : vector<128x128xi1>, vector<128x128xf32>
      %reduce_max3A_215 = vector.shape_cast %select_n3A_214 : vector<128x128xf32> to vector<1x128x128xf32>
      %reduce_max3A_216 = arith.constant dense<0xFF800000> : vector<1xf32>
      %reduce_max3A_217 = vector.multi_reduction <maximumf>, %reduce_max3A_215, %reduce_max3A_216 [1, 2] : vector<1x128x128xf32> to vector<1xf32>
      %reduce_max3A_218 = vector.shape_cast %reduce_max3A_217 : vector<1xf32> to vector<1x1x1xf32>
      %reduce_max3A_219 = vector.extract %reduce_max3A_218[0, 0, 0] : f32 from vector<1x1x1xf32>
      %broadcast_in_dim3A_220 = vector.broadcast %reduce_max3A_219 : f32 to vector<256x128xf32>
      %select_n3A_221 = arith.select %eq3A_113, %broadcast_in_dim3A_220, %scan3A_87 : vector<256x128xi1>, vector<256x128xf32>
      %add3A_222 = arith.addf %reduce_max3A_219, %get3A_187 : f32
      %broadcast_in_dim3A_223 = vector.broadcast %add3A_222 : f32 to vector<256x128xf32>
      %select_n3A_224 = arith.select %eq3A_113, %broadcast_in_dim3A_223, %scan3A_86 : vector<256x128xi1>, vector<256x128xf32>
      %jit3A_225 = arith.constant 2 : i32
      %eq3A_226 = arith.constant 0 : i32
      %eq3A_227 = arith.cmpi eq, %jit3A_225, %eq3A_226 : i32
      %jit3A_228 = arith.constant 1 : i32
      %select_n3A_229 = arith.select %eq3A_227, %jit3A_228, %jit3A_225 : i32
      %rem3A_230 = arith.remsi %select_n3A_145, %select_n3A_229 : i32
      %ne3A_231 = arith.constant 0 : i32
      %ne3A_232 = arith.cmpi ne, %rem3A_230, %ne3A_231 : i32
      %lt3A_233 = arith.constant 0 : i32
      %lt3A_234 = arith.cmpi slt, %rem3A_230, %lt3A_233 : i32
      %lt3A_235 = arith.constant 0 : i32
      %lt3A_236 = arith.cmpi slt, %select_n3A_229, %lt3A_235 : i32
      %ne3A_237 = arith.xori %lt3A_234, %lt3A_236 : i1
      %and3A_238 = arith.andi %ne3A_237, %ne3A_232 : i1
      %add3A_239 = arith.addi %rem3A_230, %select_n3A_229 : i32
      %select_n3A_240 = arith.select %and3A_238, %add3A_239, %rem3A_230 : i32
      %mul3A_241 = arith.constant 16384 : i32
      %mul3A_242 = arith.muli %select_n3A_240, %mul3A_241 : i32
      %mul3A_243 = arith.constant 128 : i32
      %mul3A_244 = arith.muli %select_n3A_161, %mul3A_243 : i32
      %add3A_245 = arith.addi %mul3A_242, %mul3A_244 : i32
      %add3A_246 = arith.addi %add3A_245, %reduce_max3A_206 : i32
      %eq3A_247 = vector.broadcast %scan3A_85 : i32 to vector<1x128xi32>
      %eq3A_248 = arith.cmpi eq, %iota3A_60, %eq3A_247 : vector<1x128xi32>
      %broadcast_in_dim3A_249 = vector.broadcast %reduce_max3A_94 : f32 to vector<1x128xf32>
      %select_n3A_250 = arith.select %eq3A_248, %broadcast_in_dim3A_249, %scan3A_88 : vector<1x128xi1>, vector<1x128xf32>
      %broadcast_in_dim3A_251 = vector.broadcast %select_n3A_185 : i32 to vector<1x128xi32>
      %select_n3A_252 = arith.select %eq3A_248, %broadcast_in_dim3A_251, %scan3A_89 : vector<1x128xi1>, vector<1x128xi32>
      %broadcast_in_dim3A_253 = vector.broadcast %add3A_246 : i32 to vector<1x128xi32>
      %select_n3A_254 = arith.select %eq3A_248, %broadcast_in_dim3A_253, %scan3A_90 : vector<1x128xi1>, vector<1x128xi32>
      scf.yield %select_n3A_224, %select_n3A_221, %select_n3A_250, %select_n3A_252, %select_n3A_254 : vector<256x128xf32>, vector<256x128xf32>, vector<1x128xf32>, vector<1x128xi32>, vector<1x128xi32>
    }
    %scan3A_76 = arith.constant 128 : i32
    %swap3A = arith.constant 0 : index
    %swap3A_77 = arith.constant 0 : index
    %swap3A_78 = vector.load %arg3[%swap3A, %swap3A_77] : memref<1x128xf32, #tpu.memory_space<vmem>>, vector<1x128xf32>
    tpu.vector_store %arg3[%swap3A, %swap3A_77], %scan3A_75#2 {strides = array<i32>} : memref<1x128xf32, #tpu.memory_space<vmem>>, vector<1x128xf32>,
    %swap3A_79 = arith.constant 0 : index
    %swap3A_80 = arith.constant 0 : index
    %swap3A_81 = vector.load %arg4[%swap3A_79, %swap3A_80] : memref<1x128xi32, #tpu.memory_space<vmem>>, vector<1x128xi32>
    tpu.vector_store %arg4[%swap3A_79, %swap3A_80], %scan3A_75#3 {strides = array<i32>} : memref<1x128xi32, #tpu.memory_space<vmem>>, vector<1x128xi32>,
    %swap3A_82 = arith.constant 0 : index
    %swap3A_83 = arith.constant 0 : index
    %swap3A_84 = vector.load %arg5[%swap3A_82, %swap3A_83] : memref<1x128xi32, #tpu.memory_space<vmem>>, vector<1x128xi32>
    tpu.vector_store %arg5[%swap3A_82, %swap3A_83], %scan3A_75#4 {strides = array<i32>} : memref<1x128xi32, #tpu.memory_space<vmem>>, vector<1x128xi32>,
    return
  }
}

module attributes {stable_mosaic.version = 14 : i64} {
  func.func @_lane_sel_body(%arg0: memref<128x128xf32, #tpu.memory_space<vmem>>, %arg1: memref<128x1xi32, #tpu.memory_space<vmem>>, %arg2: memref<128x1xf32, #tpu.memory_space<vmem>>) attributes {dimension_semantics = [], scalar_prefetch = 0 : i64, scratch_operands = 0 : i64, tpu.core_type = #tpu.core_type<tc>} {
    %iota3A = tpu.iota {dimensions = array<i32: 1>} : vector<128x128xi32>
    %get3A = arith.constant 0 : index
    %get3A_0 = arith.constant 0 : index
    %get3A_1 = vector.load %arg1[%get3A, %get3A_0] : memref<128x1xi32, #tpu.memory_space<vmem>>, vector<128x1xi32>
    %eq3A = vector.broadcast %get3A_1 : vector<128x1xi32> to vector<128x128xi32>
    %eq3A_2 = arith.cmpi eq, %iota3A, %eq3A : vector<128x128xi32>
    %get3A_3 = arith.constant 0 : index
    %get3A_4 = arith.constant 0 : index
    %get3A_5 = vector.load %arg0[%get3A_3, %get3A_4] : memref<128x128xf32, #tpu.memory_space<vmem>>, vector<128x128xf32>
    %jit3A = arith.constant 0xFF800000 : f32
    %broadcast_in_dim3A = vector.broadcast %jit3A : f32 to vector<128x128xf32>
    %select_n3A = arith.select %eq3A_2, %get3A_5, %broadcast_in_dim3A : vector<128x128xi1>, vector<128x128xf32>
    %reduce_max3A = arith.constant dense<0xFF800000> : vector<128xf32>
    %reduce_max3A_6 = vector.multi_reduction <maximumf>, %select_n3A, %reduce_max3A [1] : vector<128x128xf32> to vector<128xf32>
    %broadcast_in_dim3A_7 = vector.shape_cast %reduce_max3A_6 : vector<128xf32> to vector<128x1xf32>
    %swap3A = arith.constant 0 : index
    %swap3A_8 = arith.constant 0 : index
    %swap3A_9 = vector.load %arg2[%swap3A, %swap3A_8] : memref<128x1xf32, #tpu.memory_space<vmem>>, vector<128x1xf32>
    tpu.vector_store %arg2[%swap3A, %swap3A_8], %broadcast_in_dim3A_7 {strides = array<i32>} : memref<128x1xf32, #tpu.memory_space<vmem>>, vector<128x1xf32>,
    return
  }
}

</mosaic_0001>

<sc_bundles>
// kernel: kernel.5.cloned.1.call-start
scs
__scs_entry_jumppad:
0x0: {  	(pc) =	sbr.rel $0x88, $3  }
0x1: {  	(tag) =	ssettag $0x0;
	lr =	simm.s32 $0x1  }
0x2: {  	[smem:$0x3F9E] =	sst lr;
	_ =	strace $0xD0000000  }
0x3: {  	_ = 	snop  }
0x4: {  	_ = 	snop  }
0x5: {  	_ = 	snop  }
0x6: {  	_ = 	snop  }
0x7: {  	_ = 	snop  }
__scs_overlays_trampoline_lowered:
0x8: {  	[smem:$0x3FAD] =	sst s0  }
0x9: {  	[smem:$0x3FAE] =	sst s1  }
0xa: {  	[smem:$0x3FAF] =	sst s2  }
0xb: {  	[smem:$0x3FB0] =	sst s3  }
0xc: {  	[smem:$0x3FB1] =	sst s4  }
0xd: {  	[smem:$0x3FB2] =	sst s5  }
0xe: {  	[smem:$0x3FB3] =	sst s6  }
0xf: {  	[smem:$0x3FB4] =	sst s7  }
0x10: {  	[smem:$0x3FB5] =	sst s8  }
0x11: {  	[smem:$0x3FB6] =	sst s9;
	s0 =	simm.s32 @!p0 $0x0  }
0x12: {  	s1 =	sld [smem:$0x3F9C];
	s0 =	simm.s32 @p0 $0x1  }
0x13: {  	[smem:$0x3FB7] =	sst s0;
	s0 =	simm.s32 @!p1 $0x0  }
0x14: {  	s2 =	sld [smem:$0x3F9B];
	s0 =	simm.s32 @p1 $0x1  }
0x15: {  	[smem:$0x3FB8] =	sst s0;
	s0 =	simm.s32 @!p2 $0x0  }
0x16: {  	s3 =	sld [smem:$0x3FDB];
	s0 =	simm.s32 @p2 $0x1  }
0x17: {  	s4 =	simm.s32 $0x1BF5;
	[smem:$0x3FBA] =	sst s0  }
0x18: {  	s0 =	sld [smem:$0x3F9D];
	_ =	swait.ge [sflag:s4], $0x0  }
0x19: {  	s7 =	sld [smem:$0x3F9E]  }
0x1a: {  	s8 =	sadd.s32 $0xFFFFE003, lr  }
0x1b: {  	s9 =	sadd.s32 $0xFFFFFEF7, lr;
	s5 =	simm.s32 $0xFFFFFFFF;
	p2 =	slt.u32 s8, $0xFFFFF086  }
0x1c: {  	p1 =	slt.u32 s9, $0xF7A;
	s5 =	simm.s32 @!p2 $0x0  }
0x1d: {  	s5 =	simm.s32 @p1 $0x1;
	p0 =	seq.s32 s7, s2  }
0x1e: {  	s7 =	smul.u32 @!p0 $0xF7A, s2;
	p2 =	seq.s32 @!p0 s5, $0x0  }
0x1f: {  	s9 =	smul.u32 $0xF7A, s1;
	s8 =	simm.s32 @!p0 $0x1BF5;
	p2 =	por !p2, p0  }
0x20: {  	[sflag:s8] =	ssyncset.s32 @!p0 $0xFFFFF086;
	s6 =	sadd.s32 @!p0 s3, s7;
	s7 =	simm.s32 @!p0 $0x108  }
0x21: {  	s3 =	sadd.s32 s3, s9;
	s6 =	sadd.s32 @!p0 $0x88, s6;
	s7 =	simm.s32 @p2 $0x1082  }
0x22: {  	[simem:s7], [sflag:s8] =	dma.local @!p0 [hbm:s6], $0xF7A  }
0x23: {  	s9 =	sor.u32 $0xD0000000, s2;
	s6 =	simm.s32 $0x108;
	_ =	swait.ge @!p0 [sflag:s8], $0x0  }
0x24: {  	s3 =	sadd.s32 $0x88, s3;
	s6 =	simm.s32 @!p1 $0x1082;
	[sflag:s4] =	ssyncset.s32 $0xFFFFF086  }
0x25: {  	[simem:s6], [sflag:s4] =	dma.local [hbm:s3], $0xF7A  }
0x26: {  	[smem:$0x3F9E] =	sst s1;
	(tag) =	ssettag s2;
	_ =	strace s9  }
0x27: {  	s1 =	sld [smem:$0x3FAE]  }
0x28: {  	s2 =	sld [smem:$0x3FAF]  }
0x29: {  	s4 =	sld [smem:$0x3FB1]  }
0x2a: {  	p0 =	seq.s32 s5, $0x0;
	s5 =	sld [smem:$0x3FB2]  }
0x2b: {  	s6 =	sld [smem:$0x3FB3]  }
0x2c: {  	s7 =	sld [smem:$0x3FB4]  }
0x2d: {  	s3 =	simm.s32 $0x108;
	s8 =	sld [smem:$0x3FB5]  }
0x2e: {  	s3 =	simm.s32 @!p0 $0x1082;
	s9 =	sld [smem:$0x3FB6]  }
0x2f: {  	lr =	sadd.s32 s0, s3;
	s0 =	sld [smem:$0x3FAD]  }
0x30: {  	s3 =	sld [smem:$0x3FB0]  }
0x31: {  	[smem:$0x3FB9] =	sst s10  }
0x32: {  	s10 =	sld [smem:$0x3FB7];
	_ =	sdelay $0x3  }
0x33: {  	p0 =	seq.s32 s10, $0x1;
	s10 =	sld [smem:$0x3FB9];
	_ =	sdelay $0x3  }
0x34: {  	[smem:$0x3FB9] =	sst s10  }
0x35: {  	s10 =	sld [smem:$0x3FB8];
	_ =	sdelay $0x3  }
0x36: {  	p1 =	seq.s32 s10, $0x1;
	s10 =	sld [smem:$0x3FB9];
	_ =	sdelay $0x3  }
0x37: {  	[smem:$0x3FB9] =	sst s10  }
0x38: {  	s10 =	sld [smem:$0x3FBA]  }
0x39: {  	_ = 	snop;
	(pc) =	sbr.ind lr, $3  }
0x3a: {  	_ = 	snop  }
0x3b: {  	_ = 	snop  }
0x3c: {  	p2 =	seq.s32 s10, $0x1;
	s10 =	sld [smem:$0x3FB9]  }
0x3d: {  	_ =	shalt  }
0x3e: {  	_ =	shalt  }
0x3f: {  	_ =	shalt  }
0x40: {  	_ =	shalt  }
0x41: {  	_ =	shalt  }
0x42: {  	_ =	shalt  }
0x43: {  	_ =	shalt  }
0x44: {  	_ =	shalt  }
0x45: {  	_ =	shalt  }
0x46: {  	_ =	shalt  }
0x47: {  	_ =	shalt  }
0x48: {  	_ =	shalt  }
0x49: {  	_ =	shalt  }
0x4a: {  	_ =	shalt  }
0x4b: {  	_ =	shalt  }
0x4c: {  	_ =	shalt  }
0x4d: {  	_ =	shalt  }
0x4e: {  	_ =	shalt  }
0x4f: {  	_ =	shalt  }
0x50: {  	_ =	shalt  }
0x51: {  	_ =	shalt  }
0x52: {  	_ =	shalt  }
0x53: {  	_ =	shalt  }
0x54: {  	_ =	shalt  }
0x55: {  	_ =	shalt  }
0x56: {  	_ =	shalt  }
0x57: {  	_ =	shalt  }
0x58: {  	_ =	shalt  }
0x59: {  	_ =	shalt  }
0x5a: {  	_ =	shalt  }
0x5b: {  	_ =	shalt  }
0x5c: {  	_ =	shalt  }
0x5d: {  	_ =	shalt  }
0x5e: {  	_ =	shalt  }
0x5f: {  	_ =	shalt  }
0x60: {  	_ =	shalt  }
0x61: {  	_ =	shalt  }
0x62: {  	_ =	shalt  }
0x63: {  	_ =	shalt  }
0x64: {  	_ =	shalt  }
0x65: {  	_ =	shalt  }
0x66: {  	_ =	shalt  }
0x67: {  	_ =	shalt  }
0x68: {  	_ =	shalt  }
0x69: {  	_ =	shalt  }
0x6a: {  	_ =	shalt  }
0x6b: {  	_ =	shalt  }
0x6c: {  	_ =	shalt  }
0x6d: {  	_ =	shalt  }
0x6e: {  	_ =	shalt  }
0x6f: {  	_ =	shalt  }
0x70: {  	_ =	shalt  }
0x71: {  	_ =	shalt  }
0x72: {  	_ =	shalt  }
0x73: {  	_ =	shalt  }
0x74: {  	_ =	shalt  }
0x75: {  	_ =	shalt  }
0x76: {  	_ =	shalt  }
0x77: {  	_ =	shalt  }
0x78: {  	_ =	shalt  }
0x79: {  	_ =	shalt  }
0x7a: {  	_ =	shalt  }
0x7b: {  	_ =	shalt  }
0x7c: {  	_ =	shalt  }
0x7d: {  	_ =	shalt  }
0x7e: {  	_ =	shalt  }
0x7f: {  	_ =	shalt  }
0x80: {  	_ =	shalt  }
0x81: {  	_ =	shalt  }
0x82: {  	_ =	shalt  }
0x83: {  	_ =	shalt  }
0x84: {  	_ =	shalt  }
0x85: {  	_ =	shalt  }
0x86: {  	_ =	shalt  }
0x87: {  	_ =	shalt  }
.Lfunc_end0:
.L_simem_size_0:
called_computation_lowered:
.L_overlay_start_0:
0x88: {  	s2 =	sld [smem:$0x3FD9]  }
0x89: {  	s3 =	sld [smem:$0x3FFE];
	_ =	sdelay $0x1  }
0x8a: {  	s1 =	srdreg.scid  }
0x8b: {  	s0 =	sand.u32 $0x1, s1  }
0x8c: {  	s14 =	sshll.u32 s0, $0xA;
	s2 =	sadd.s32 s3, s2  }
0x8d: {  	s2 =	sadd.s32 s2, s14  }
0x8e: {  	[smem:$0x3FC5] =	sst s2  }
0x8f: {  	_ = 	snop  }
0x90: {  	s2 =	sld [smem:$0x3FD0];
	_ =	sdelay $0x2  }
0x91: {  	s15 =	simm.s32 $0xA;
	s4 =	simm.s32 $0x10  }
0x92: {  	[smem:s4], [sflag:s15] =	dma.local [hbm:s2], $0x1  }
0x93: {  	_ =	swait.eq [sflag:s15], $0x1  }
0x94: {  	[sflag:s15] =	ssyncset.done $0x0  }
0x95: {  	[sflag:s15] =	ssyncadd.s32 $0xFFFFFFFF  }
0x96: {  	s16 =	sld [smem:$0x12];
	(tm) =	ssettm $0x1  }
0x97: {  	s17 =	sld [smem:$0x3FFB];
	_ =	sdelay $0x3  }
0x98: {  	_ =	strace s17  }
0x99: {  	s3 =	sld [smem:$0x3FFC];
	_ =	sdelay $0x3  }
0x9a: {  	_ =	strace s3  }
0x9b: {  	s3 =	sld [smem:$0x3FFD];
	_ =	sdelay $0x3  }
0x9c: {  	_ =	strace s3  }
0x9d: {  	_ =	strace $0x8FFFFFFF  }
0x9e: {  	s18 =	sld [smem:$0x3FDB];
	_ =	sdelay $0x1  }
0x9f: {  	s19 =	simm.s32 $_scs_section_size  }
0xa0: {  	s5 =	simm.s32 $_size__tile_overlayer_lowered;
	s6 =	simm.s32 $_tile_overlayer_lowered  }
0xa1: {  	s22 =	simm.s32 $0x1BFF;
	s21 =	sshll.u32 s6, $0x1;
	s3 =	sadd.s32 s19, s18  }
0xa2: {  	s7 =	simm.s32 $0x0;
	s20 =	sshll.u32 s5, $0x1;
	s5 =	sadd.s32 s21, s3  }
0xa3: {  	[timem:s7], [sflag:s22] =	dma.local [hbm:s5], s20  }
0xa4: {  	_ =	swait.ge [sflag:s22], s20  }
0xa5: {  	s4 =	ssub.s32 $0x0, s20;
	[sflag:s22] =	ssyncset.done $0x0  }
0xa6: {  	[sflag:s22] =	ssyncadd.s32 s4;
	_ =	sdelay $0x1  }
0xa7: {  	s23 =	simm.s32 $0x1B8B  }
0xa8: {  	_ =	swait.ge [sflag:s23], $0x1  }
0xa9: {  	[sflag:s23] =	ssyncset.done $0x0  }
0xaa: {  	s25 =	simm.s32 $0x1B8E;
	s24 =	sld [smem:$0x3FFE];
	[sflag:s23] =	ssyncadd.s32 $0xFFFFFFFF  }
0xab: {  	s26 =	simm.s32 $execute0_lowered;
	[smem:$0x3FD2] =	sst s25  }
0xac: {  	s5 =	sshll.u32 s26, $0x1;
	_ =	strace $0x80000046;
	[dreg:$0x1] =	wrdreg $0xFFFFFFFF  }
0xad: {  	s28 =	simm.s32 $_size_execute0_lowered;
	s3 =	sadd.s32 s3, s5;
	[dreg:$0x0] =	wrdreg $0x0  }
0xae: {  	s5 =	sshll.u32 s28, $0x1;
	[dreg:$0x2] =	wrdreg s3  }
0xaf: {  	[dreg:$0x3] =	wrdreg s5  }
0xb0: {  	[dreg:$0x4] =	wrdreg $0xC0  }
0xb1: {  	_ =	task [dreg:s7], $0x5FFFF  }
0xb2: {  	[dreg:$0x1] =	wrdreg $0xFFFFFFFF  }
0xb3: {  	[dreg:$0x0] =	wrdreg $0x60  }
0xb4: {  	[dreg:$0x2] =	wrdreg s24  }
0xb5: {  	[dreg:$0x3] =	wrdreg s16  }
0xb6: {  	[dreg:$0x4] =	wrdreg $0x9  }
0xb7: {  	_ =	task.clear_ibuf [dreg:s7], $0x5FFFF;
	_ =	strace $0x90000046  }
0xb8: {  	s29 =	simm.s32 $0x9;
	_ =	strace $0x80000048  }
0xb9: {  	_ =	swait.ge [sflag:s29], $0x1  }
0xba: {  	[sflag:s29] =	ssyncadd.s32 $0xFFFFFFFF  }
0xbb: {  	_ =	strace $0x90000048  }
0xbc: {  	_ =	sfence  }
0xbd: {  	s30 =	sld [smem:$0x0];
	_ =	sdelay $0x2  }
0xbe: {  	s31 =	sshll.u32 s1, $0xD;
	s1 =	sshrl.u32 s1, $0x2  }
0xbf: {  	s3 =	sand.u32 $0x4000, s31;
	s1 =	sadd.s32 s1, s30  }
0xc0: {  	s0 =	sor.u32 s3, s0;
	s1 =	sshll.u32 s1, $0x11  }
0xc1: {  	s0 =	sor.u32 s1, s0  }
0xc2: {  	s0 =	sadd.s32 $0x8F2B, s0  }
0xc3: {  	[sflag:s0] =	ssyncadd.remote.s32 $0x1  }
0xc4: {  	_ =	sfence.sel $0xFFFF  }
0xc5: {  	[dreg:$0x0] =	wrdreg $0xFFFFFFFF;
	(pc) =	sbr.abs _section_cstart, $3  }
0xc6: {  	[dreg:$0x1] =	wrdreg $0xFFFFFFFF  }
0xc7: {  	_ =	task.clear_ibuf [dreg:s7], $0x2FFFF;
	_ =	strace $0x9FFFFFFF  }
0xc8: {  	(tm) =	ssettm $0x7FFFFFFF  }
0xc9: {  	_ =	shalt  }
tec
execute0_lowered:
.L_overlay_start_1:
0x0: {  	(tag) =	ssettag $0x1  }
0x1: {  	s1 =	stileid.u32  }
0x2: {  	p0 =	sgt.u32 s1, $0x3  }
.Ltmp0:
0x3: {  	_ = 	snop;
	(pc) =	sbr.rel @p0 .LBB2_4-.Ltmp0, $4  }
0x4: {  	s9 =	rddreg [dreg:$0x0]  }
0x5: {  	s3 =	rddreg [dreg:$0x1];
	s2 =	simm.s32 $0x0  }
0x6: {  	[smem:$0x7FF] =	sst s2  }
0x7: {  	s0 =	rddreg [dreg:$0x2];
	_ =	strace $0x80000047  }
0x8: {  	s4 =	srdreg.scid  }
0x9: {  	s29 =	sshll.u32 s1, $0x1;
	s6 =	sand.u32 $0x1, s4  }
0xa: {  	s5 =	sadd.s32 $0x800, s9;
	s10 =	sor.u32 s6, s29  }
0xb: {  	s7 =	simm.s32 $0x80;
	s8 =	simm.s32 $0x1;
	s4 =	sshll.u32 s10, $0x1  }
0xc: {  	s11 =	ssub.s32 $0x2, s6;
	s4 =	sadd.s32 s3, s4;
	s3 =	simm.s32 $0x2  }
0xd: {  	[tilespmem:s2], [sflag:$0x2] =	stream.linear.gather [hbm4b:s4+s2], $0x10, $0x38;
	[tilespmem:$0x880] =	vst v63  }
0xe: {  	s6 =	simm.s32 $0x10;
	s12 =	sshrl.u32 s11, $0x1;
	_ =	swait.ge [sflag:s3], $0x10  }
0xf: {  	s10 =	sshll.u32 s10, $0x8;
	s31 =	ssub.s32 s11, s12;
	[sflag:s3] =	ssyncset.done $0x0  }
0x10: {  	s30 =	sadd.s32 s10, s9;
	s10 =	smax.u32 s31, $0x1;
	[sflag:s3] =	ssyncadd.s32 $0xFFFFFFF0  }
0x11: {  	[tilespmem:s7], [sflag:$0x1] =	stream.indirect.gather [hbm4b:s5+s6], $0x80, s2, s6, $0xb8;
	[tilespmem:$0x880] =	vst v63  }
0x12: {  	p0 =	sne.s32 s10, $0x1;
	_ =	swait.ge [sflag:s8], $0x800  }
.Ltmp1:
0x13: {  	[sflag:s8] =	ssyncset.done $0x0;
	(pc) =	sbr.rel @!p0 .LBB2_3-.Ltmp1, $4  }
0x14: {  	s9 =	sadd.s32 $0x80800, s30;
	[sflag:s8] =	ssyncadd.s32 $0xFFFFF800  }
0x15: {  	[hbm4b:s9+s2] =	stream.linear.scatter [tilespmem:s7], [sflag:$0x2], $0x800, $0x38;
	[tilespmem:$0x880] =	vst v63  }
0x16: {  	_ =	swait.ge [sflag:s3], $0x800  }
0x17: {  	s10 =	sadd.s32 $0xFFFFFFFF, s10;
	[sflag:s3] =	ssyncset.done $0x0  }
.LBB2_2:
0x18: {  	p0 =	sne.s32 s10, $0x1;
	s10 =	sadd.s32 $0xFFFFFFFF, s10;
	[sflag:s3] =	ssyncadd.s32 $0xFFFFF800  }
0x19: {  	[tilespmem:s2], [sflag:$0x2] =	stream.linear.gather [hbm4b:s4+s2], $0x10, $0x38;
	[tilespmem:$0x880] =	vst v63  }
0x1a: {  	_ =	swait.ge [sflag:s3], $0x10  }
0x1b: {  	[sflag:s3] =	ssyncset.done $0x0  }
0x1c: {  	[sflag:s3] =	ssyncadd.s32 $0xFFFFFFF0  }
0x1d: {  	[tilespmem:s7], [sflag:$0x1] =	stream.indirect.gather [hbm4b:s5+s6], $0x80, s2, s6, $0xb8;
	[tilespmem:$0x880] =	vst v63  }
0x1e: {  	_ =	swait.ge [sflag:s8], $0x800  }
.Ltmp2:
0x1f: {  	[sflag:s8] =	ssyncset.done $0x0;
	(pc) =	sbr.rel @p0 .LBB2_2-.Ltmp2, $4  }
0x20: {  	[sflag:s8] =	ssyncadd.s32 $0xFFFFF800  }
0x21: {  	[hbm4b:s9+s2] =	stream.linear.scatter [tilespmem:s7], [sflag:$0x2], $0x800, $0x38;
	[tilespmem:$0x880] =	vst v63  }
0x22: {  	_ =	swait.ge [sflag:s3], $0x800  }
0x23: {  	[sflag:s3] =	ssyncset.done $0x0  }
.LBB2_3:
0x24: {  	[sflag:s3] =	ssyncadd.s32 $0xFFFFF800  }
.LBB2_4:
0x25: {  	_ =	sfence.sel $0x180000  }
0x26: {  	[bflag:$0x0] =	sbarrier.arrive $0xFFFF  }
0x27: {  	p0 =	sne.s32 s1, $0x0;
	_ =	strace $0x90000047  }
0x28: {  	s0 =	sadd.s32 @!p0 $0x100000, s0;
	[bflag:$0x2] =	sbarrier.arrive $0xFFFF  }
0x29: {  	[sflag:s0] =	ssyncadd.tile.s32 @!p0 $0x1;
	_ =	shalt  }
.Lfunc_end2:
_tile_overlayer_lowered:
.L_overlay_start_2:
0x2a: {  	(tag) =	ssettag $0x2  }
0x2b: {  	s0 =	rddreg [dreg:$0x0];
	s2 =	stileid.u32  }
0x2c: {  	s1 =	rddreg [dreg:$0x1];
	p0 =	sne.s32 s2, $0x0  }
0x2d: {  	s3 =	rddreg [dreg:$0x2];
	[bflag:$0x3] =	sbarrier.arrive $0xFFFF;
	s2 =	simm.s32 @!p0 $0x1C02  }
0x2e: {  	[timem:s3], [sflag:s2] =	dma.local @!p0 [hbm:s0], s1  }
0x2f: {  	s0 =	simm.s32 @!p0 $0x2  }
0x30: {  	_ =	swait.ge @!p0 [sflag:s0], s1  }
0x31: {  	s1 =	ssub.s32 @!p0 $0x0, s1;
	[sflag:s0] =	ssyncset.done @!p0 $0x0  }
0x32: {  	[sflag:s0] =	ssyncadd.s32 @!p0 s1  }
0x33: {  	[bflag:$0x3] =	sbarrier.arrive $0xFFFF  }
0x34: {  	_ =	shalt  }

</sc_bundles>
